<compile_context>
chip_gen: v7x
topology: tpu7x:2x2x1
jax: 0.10.2.dev20260603
libtpu: 0.0.44.dev20260713+nightly
codegen_flags: <defaults>
</compile_context>

<pallas_src>
import functools

import jax
import jax.numpy as jnp
from jax import lax
from jax.experimental import pallas as pl
from jax.experimental.pallas import tpu as pltpu
from jax.experimental.pallas import tpu_sc as plsc

NUM_TYPES = 64
D = 128
N = 100000
LANES = 16

NC, NS = 2, 16
NW = NC * NS
C = 112
PW = 3136
NCHUNK = PW // C


def _body(idx_hbm, feat_hbm, table_hbm, out_hbm,
          idx_v, feat_v, gath_v, sem):
    wid = lax.axis_index("s") * NC + lax.axis_index("c")
    base_w = jnp.minimum(wid * PW, N - PW)

    def chunk(j, carry):
        base = base_w + j * C
        pltpu.sync_copy(idx_hbm.at[pl.ds(base, C)], idx_v)
        pltpu.sync_copy(feat_hbm.at[pl.ds(base, C)], feat_v)
        pltpu.async_copy(table_hbm.at[idx_v], gath_v, sem).wait()

        def row(r, carry2):
            for c in range(D // LANES):
                sl = pl.ds(c * LANES, LANES)
                feat_v[r, sl] = feat_v[r, sl] + gath_v[r, sl]
            return carry2

        lax.fori_loop(0, C, row, 0, unroll=2)
        pltpu.sync_copy(feat_v, out_hbm.at[pl.ds(base, C)])
        return carry

    lax.fori_loop(0, NCHUNK, chunk, 0)


@jax.jit
def _run(type_indices, features, table):
    mesh = plsc.VectorSubcoreMesh(core_axis_name="c", subcore_axis_name="s")
    return pl.kernel(
        _body,
        out_type=jax.ShapeDtypeStruct((N, D), jnp.float32),
        mesh=mesh,
        scratch_types=[
            pltpu.VMEM((C,), jnp.int32),
            pltpu.VMEM((C, D), jnp.float32),
            pltpu.VMEM((C, D), jnp.float32),
            pltpu.SemaphoreType.DMA,
        ],
    )(type_indices, features, table)


def kernel(type_indices, features, type_embedding_weight):
    return _run(type_indices.astype(jnp.int32), features,
                type_embedding_weight)

# --- scband reference (transcript-rebuilt; emitter-appended) ---
"""Pipeline reference for scband-node-type-encoder-21492016349697 (READ-ONLY COPY).

The authoritative reference and input builder live on the scoring server;
editing this copy changes nothing except your own understanding.
"""

import jax, jax.numpy as jnp
import numpy as np

NUM_TYPES = 64
HIDDEN_DIM = 128
NUM_NODES = 100000

def setup_inputs(seed: int = 0) -> dict:
    key = jax.random.key(seed)
    k1, k2, k3 = jax.random.split(key, 3)
    type_indices = jax.random.randint(k1, (NUM_NODES,), 0, NUM_TYPES, dtype=jnp.int64 if jax.config.jax_enable_x64 else jnp.int32)
    features = jax.random.normal(k2, (NUM_NODES, HIDDEN_DIM), dtype=jnp.float32)
    type_embedding_weight = jax.random.normal(k3, (NUM_TYPES, HIDDEN_DIM), dtype=jnp.float32) * 0.02
    return {"type_indices": type_indices, "features": features, "type_embedding_weight": type_embedding_weight}

def reference(type_indices, features, type_embedding_weight):
    # NodeTypeEncoder forward with fusion_mode='add'
    type_emb = jnp.take(type_embedding_weight, type_indices, axis=0)
    return features + type_emb

if __name__ == "__main__":
    import jax
    _d = setup_inputs()
    print(jax.jit(kernel)(*tuple(_d.values())))

</pallas_src>

<mosaic_0001>
#map = affine_map<(d0, d1) -> (0)>
#map1 = affine_map<(d0, d1) -> (0, 0)>
module attributes {stable_mosaic.version = 14 : i64} {
  func.func @_body(%arg0: i32, %arg1: i32, %arg2: memref<100000xi32, #tpu.memory_space<hbm>>, %arg3: memref<100000x128xf32, #tpu.memory_space<hbm>>, %arg4: memref<64x128xf32, #tpu.memory_space<hbm>>, %arg5: memref<100000x128xf32, #tpu.memory_space<hbm>>, %arg6: memref<112xi32, #tpu.memory_space<vmem>>, %arg7: memref<112x128xf32, #tpu.memory_space<vmem>>, %arg8: memref<112x128xf32, #tpu.memory_space<vmem>>, %arg9: memref<!tpu.dma_semaphore, #tpu.memory_space<semaphore_mem>>) attributes {dimension_semantics = [#tpu.dimension_semantics<core_parallel>, #tpu.dimension_semantics<subcore_parallel>], iteration_bounds = array<i64: 2, 16>, scalar_prefetch = 0 : i64, scratch_operands = 4 : i64, tpu.core_type = #tpu.core_type<sc_vector_subcore>, window_params = [{transform_indices = #map}, {transform_indices = #map1}, {transform_indices = #map1}, {transform_indices = #map1}]} {
    %mul3A = arith.constant 2 : i32
    %mul3A_0 = arith.muli %arg1, %mul3A : i32
    %add3A = arith.addi %mul3A_0, %arg0 : i32
    %mul3A_1 = arith.constant 3136 : i32
    %mul3A_2 = arith.muli %add3A, %mul3A_1 : i32
    %min3A = arith.constant 96864 : i32
    %min3A_3 = arith.minsi %mul3A_2, %min3A : i32
    %scan3A = arith.constant 0 : i32
    %scan3A_4 = arith.constant 0 : i32
    %scan3A_5 = arith.constant 28 : i32
    %scan3A_6 = arith.addi %scan3A_4, %scan3A_5 : i32
    %scan3A_7 = arith.constant 1 : i32
    scf.for %scan3A_9 = %scan3A_4 to %scan3A_6 step %scan3A_7  : i32 {
      %mul3A_10 = arith.constant 112 : i32
      %mul3A_11 = arith.muli %scan3A_9, %mul3A_10 : i32
      %add3A_12 = arith.addi %min3A_3, %mul3A_11 : i32
      "tpu.region"() ({
        %run_scoped3A = tpu.sem_alloc : memref<!tpu.dma_semaphore, #tpu.memory_space<semaphore_mem>>
        %dma_start3A_23 = tpu.memref_slice %arg2[%add3A_12] : memref<100000xi32, #tpu.memory_space<hbm>> -> memref<112xi32, #tpu.memory_space<hbm>>
        %dma_start3A_24 = tpu.memref_slice %arg2[%add3A_12] : memref<100000xi32, #tpu.memory_space<hbm>> -> memref<112xi32, #tpu.memory_space<hbm>>
        tpu.enqueue_dma source(%dma_start3A_24 : memref<112xi32, #tpu.memory_space<hbm>>) target(%arg6 : memref<112xi32, #tpu.memory_space<vmem>>) target_semaphore(%run_scoped3A : memref<!tpu.dma_semaphore, #tpu.memory_space<semaphore_mem>>)
        %dma_wait3A_25 = tpu.memref_slice %arg2[%add3A_12] : memref<100000xi32, #tpu.memory_space<hbm>> -> memref<112xi32, #tpu.memory_space<hbm>>
        %dma_wait3A_26 = tpu.memref_slice %arg2[%add3A_12] : memref<100000xi32, #tpu.memory_space<hbm>> -> memref<112xi32, #tpu.memory_space<hbm>>
        tpu.wait_dma2 semaphore(%run_scoped3A : memref<!tpu.dma_semaphore, #tpu.memory_space<semaphore_mem>>) src(%dma_wait3A_26 : memref<112xi32, #tpu.memory_space<hbm>>) dst(%arg6 : memref<112xi32, #tpu.memory_space<vmem>>)
        tpu.yield
      }) : () -> ()
      "tpu.region"() ({
        %run_scoped3A = tpu.sem_alloc : memref<!tpu.dma_semaphore, #tpu.memory_space<semaphore_mem>>
        %dma_start3A_23 = arith.constant 0 : i32
        %dma_start3A_24 = tpu.memref_slice %arg3[%add3A_12, %dma_start3A_23] : memref<100000x128xf32, #tpu.memory_space<hbm>> -> memref<112x128xf32, #tpu.memory_space<hbm>>
        %dma_start3A_25 = arith.constant 0 : i32
        %dma_start3A_26 = tpu.memref_slice %arg3[%add3A_12, %dma_start3A_25] : memref<100000x128xf32, #tpu.memory_space<hbm>> -> memref<112x128xf32, #tpu.memory_space<hbm>>
        tpu.enqueue_dma source(%dma_start3A_26 : memref<112x128xf32, #tpu.memory_space<hbm>>) target(%arg7 : memref<112x128xf32, #tpu.memory_space<vmem>>) target_semaphore(%run_scoped3A : memref<!tpu.dma_semaphore, #tpu.memory_space<semaphore_mem>>)
        %dma_wait3A_27 = arith.constant 0 : i32
        %dma_wait3A_28 = tpu.memref_slice %arg3[%add3A_12, %dma_wait3A_27] : memref<100000x128xf32, #tpu.memory_space<hbm>> -> memref<112x128xf32, #tpu.memory_space<hbm>>
        %dma_wait3A_29 = arith.constant 0 : i32
        %dma_wait3A_30 = tpu.memref_slice %arg3[%add3A_12, %dma_wait3A_29] : memref<100000x128xf32, #tpu.memory_space<hbm>> -> memref<112x128xf32, #tpu.memory_space<hbm>>
        tpu.wait_dma2 semaphore(%run_scoped3A : memref<!tpu.dma_semaphore, #tpu.memory_space<semaphore_mem>>) src(%dma_wait3A_30 : memref<112x128xf32, #tpu.memory_space<hbm>>) dst(%arg7 : memref<112x128xf32, #tpu.memory_space<vmem>>)
        tpu.yield
      }) : () -> ()
      %dma_start3A = arith.constant 0 : i32
      %dma_start3A_13 = arith.constant 0 : i32
      %dma_start3A_14 = tpu.memref_slice %arg4[%dma_start3A, %dma_start3A_13] : memref<64x128xf32, #tpu.memory_space<hbm>> -> memref<64x128xf32, #tpu.memory_space<hbm>>
      tpu.enqueue_indirect_dma source(%dma_start3A_14 : memref<64x128xf32, #tpu.memory_space<hbm>>) target(%arg8 : memref<112x128xf32, #tpu.memory_space<vmem>>) offsets(%arg6 : memref<112xi32, #tpu.memory_space<vmem>>) semaphore(%arg9 : memref<!tpu.dma_semaphore, #tpu.memory_space<semaphore_mem>>)
      %dma_wait3A = arith.constant 0 : i32
      %dma_wait3A_15 = arith.constant 0 : i32
      %dma_wait3A_16 = tpu.memref_slice %arg4[%dma_wait3A, %dma_wait3A_15] : memref<64x128xf32, #tpu.memory_space<hbm>> -> memref<64x128xf32, #tpu.memory_space<hbm>>
      tpu.wait_indirect_dma semaphore(%arg9 : memref<!tpu.dma_semaphore, #tpu.memory_space<semaphore_mem>>) src(%dma_wait3A_16 : memref<64x128xf32, #tpu.memory_space<hbm>>) dst(%arg8 : memref<112x128xf32, #tpu.memory_space<vmem>>)
      %scan3A_17 = arith.constant 0 : i32
      %scan3A_18 = arith.constant 0 : i32
      %scan3A_19 = arith.constant 112 : i32
      %scan3A_20 = arith.addi %scan3A_18, %scan3A_19 : i32
      %scan3A_21 = arith.constant 2 : i32
      scf.for %scan3A_23 = %scan3A_18 to %scan3A_20 step %scan3A_21  : i32 {
        %get3A = arith.index_cast %scan3A_23 : i32 to index
        %get3A_24 = arith.constant 0 : index
        %get3A_25 = tpu.vector_load %arg7[%get3A, %get3A_24] {strides = array<i32>} : memref<112x128xf32, #tpu.memory_space<vmem>>, vector<1x16xf32>,
        %get3A_26 = vector.shape_cast %get3A_25 : vector<1x16xf32> to vector<16xf32>
        %get3A_27 = arith.index_cast %scan3A_23 : i32 to index
        %get3A_28 = arith.constant 0 : index
        %get3A_29 = tpu.vector_load %arg8[%get3A_27, %get3A_28] {strides = array<i32>} : memref<112x128xf32, #tpu.memory_space<vmem>>, vector<1x16xf32>,
        %get3A_30 = vector.shape_cast %get3A_29 : vector<1x16xf32> to vector<16xf32>
        %add3A_31 = arith.addf %get3A_26, %get3A_30 : vector<16xf32>
        %swap3A = arith.index_cast %scan3A_23 : i32 to index
        %swap3A_32 = arith.constant 0 : index
        %swap3A_33 = tpu.vector_load %arg7[%swap3A, %swap3A_32] {strides = array<i32>} : memref<112x128xf32, #tpu.memory_space<vmem>>, vector<1x16xf32>,
        %swap3A_34 = vector.shape_cast %swap3A_33 : vector<1x16xf32> to vector<16xf32>
        %swap3A_35 = vector.shape_cast %add3A_31 : vector<16xf32> to vector<1x16xf32>
        tpu.vector_store %arg7[%swap3A, %swap3A_32], %swap3A_35 {strides = array<i32>} : memref<112x128xf32, #tpu.memory_space<vmem>>, vector<1x16xf32>,
        %get3A_36 = arith.index_cast %scan3A_23 : i32 to index
        %get3A_37 = arith.constant 16 : index
        %get3A_38 = tpu.vector_load %arg7[%get3A_36, %get3A_37] {strides = array<i32>} : memref<112x128xf32, #tpu.memory_space<vmem>>, vector<1x16xf32>,
        %get3A_39 = vector.shape_cast %get3A_38 : vector<1x16xf32> to vector<16xf32>
        %get3A_40 = arith.index_cast %scan3A_23 : i32 to index
        %get3A_41 = arith.constant 16 : index
        %get3A_42 = tpu.vector_load %arg8[%get3A_40, %get3A_41] {strides = array<i32>} : memref<112x128xf32, #tpu.memory_space<vmem>>, vector<1x16xf32>,
        %get3A_43 = vector.shape_cast %get3A_42 : vector<1x16xf32> to vector<16xf32>
        %add3A_44 = arith.addf %get3A_39, %get3A_43 : vector<16xf32>
        %swap3A_45 = arith.index_cast %scan3A_23 : i32 to index
        %swap3A_46 = arith.constant 16 : index
        %swap3A_47 = tpu.vector_load %arg7[%swap3A_45, %swap3A_46] {strides = array<i32>} : memref<112x128xf32, #tpu.memory_space<vmem>>, vector<1x16xf32>,
        %swap3A_48 = vector.shape_cast %swap3A_47 : vector<1x16xf32> to vector<16xf32>
        %swap3A_49 = vector.shape_cast %add3A_44 : vector<16xf32> to vector<1x16xf32>
        tpu.vector_store %arg7[%swap3A_45, %swap3A_46], %swap3A_49 {strides = array<i32>} : memref<112x128xf32, #tpu.memory_space<vmem>>, vector<1x16xf32>,
        %get3A_50 = arith.index_cast %scan3A_23 : i32 to index
        %get3A_51 = arith.constant 32 : index
        %get3A_52 = tpu.vector_load %arg7[%get3A_50, %get3A_51] {strides = array<i32>} : memref<112x128xf32, #tpu.memory_space<vmem>>, vector<1x16xf32>,
        %get3A_53 = vector.shape_cast %get3A_52 : vector<1x16xf32> to vector<16xf32>
        %get3A_54 = arith.index_cast %scan3A_23 : i32 to index
        %get3A_55 = arith.constant 32 : index
        %get3A_56 = tpu.vector_load %arg8[%get3A_54, %get3A_55] {strides = array<i32>} : memref<112x128xf32, #tpu.memory_space<vmem>>, vector<1x16xf32>,
        %get3A_57 = vector.shape_cast %get3A_56 : vector<1x16xf32> to vector<16xf32>
        %add3A_58 = arith.addf %get3A_53, %get3A_57 : vector<16xf32>
        %swap3A_59 = arith.index_cast %scan3A_23 : i32 to index
        %swap3A_60 = arith.constant 32 : index
        %swap3A_61 = tpu.vector_load %arg7[%swap3A_59, %swap3A_60] {strides = array<i32>} : memref<112x128xf32, #tpu.memory_space<vmem>>, vector<1x16xf32>,
        %swap3A_62 = vector.shape_cast %swap3A_61 : vector<1x16xf32> to vector<16xf32>
        %swap3A_63 = vector.shape_cast %add3A_58 : vector<16xf32> to vector<1x16xf32>
        tpu.vector_store %arg7[%swap3A_59, %swap3A_60], %swap3A_63 {strides = array<i32>} : memref<112x128xf32, #tpu.memory_space<vmem>>, vector<1x16xf32>,
        %get3A_64 = arith.index_cast %scan3A_23 : i32 to index
        %get3A_65 = arith.constant 48 : index
        %get3A_66 = tpu.vector_load %arg7[%get3A_64, %get3A_65] {strides = array<i32>} : memref<112x128xf32, #tpu.memory_space<vmem>>, vector<1x16xf32>,
        %get3A_67 = vector.shape_cast %get3A_66 : vector<1x16xf32> to vector<16xf32>
        %get3A_68 = arith.index_cast %scan3A_23 : i32 to index
        %get3A_69 = arith.constant 48 : index
        %get3A_70 = tpu.vector_load %arg8[%get3A_68, %get3A_69] {strides = array<i32>} : memref<112x128xf32, #tpu.memory_space<vmem>>, vector<1x16xf32>,
        %get3A_71 = vector.shape_cast %get3A_70 : vector<1x16xf32> to vector<16xf32>
        %add3A_72 = arith.addf %get3A_67, %get3A_71 : vector<16xf32>
        %swap3A_73 = arith.index_cast %scan3A_23 : i32 to index
        %swap3A_74 = arith.constant 48 : index
        %swap3A_75 = tpu.vector_load %arg7[%swap3A_73, %swap3A_74] {strides = array<i32>} : memref<112x128xf32, #tpu.memory_space<vmem>>, vector<1x16xf32>,
        %swap3A_76 = vector.shape_cast %swap3A_75 : vector<1x16xf32> to vector<16xf32>
        %swap3A_77 = vector.shape_cast %add3A_72 : vector<16xf32> to vector<1x16xf32>
        tpu.vector_store %arg7[%swap3A_73, %swap3A_74], %swap3A_77 {strides = array<i32>} : memref<112x128xf32, #tpu.memory_space<vmem>>, vector<1x16xf32>,
        %get3A_78 = arith.index_cast %scan3A_23 : i32 to index
        %get3A_79 = arith.constant 64 : index
        %get3A_80 = tpu.vector_load %arg7[%get3A_78, %get3A_79] {strides = array<i32>} : memref<112x128xf32, #tpu.memory_space<vmem>>, vector<1x16xf32>,
        %get3A_81 = vector.shape_cast %get3A_80 : vector<1x16xf32> to vector<16xf32>
        %get3A_82 = arith.index_cast %scan3A_23 : i32 to index
        %get3A_83 = arith.constant 64 : index
        %get3A_84 = tpu.vector_load %arg8[%get3A_82, %get3A_83] {strides = array<i32>} : memref<112x128xf32, #tpu.memory_space<vmem>>, vector<1x16xf32>,
        %get3A_85 = vector.shape_cast %get3A_84 : vector<1x16xf32> to vector<16xf32>
        %add3A_86 = arith.addf %get3A_81, %get3A_85 : vector<16xf32>
        %swap3A_87 = arith.index_cast %scan3A_23 : i32 to index
        %swap3A_88 = arith.constant 64 : index
        %swap3A_89 = tpu.vector_load %arg7[%swap3A_87, %swap3A_88] {strides = array<i32>} : memref<112x128xf32, #tpu.memory_space<vmem>>, vector<1x16xf32>,
        %swap3A_90 = vector.shape_cast %swap3A_89 : vector<1x16xf32> to vector<16xf32>
        %swap3A_91 = vector.shape_cast %add3A_86 : vector<16xf32> to vector<1x16xf32>
        tpu.vector_store %arg7[%swap3A_87, %swap3A_88], %swap3A_91 {strides = array<i32>} : memref<112x128xf32, #tpu.memory_space<vmem>>, vector<1x16xf32>,
        %get3A_92 = arith.index_cast %scan3A_23 : i32 to index
        %get3A_93 = arith.constant 80 : index
        %get3A_94 = tpu.vector_load %arg7[%get3A_92, %get3A_93] {strides = array<i32>} : memref<112x128xf32, #tpu.memory_space<vmem>>, vector<1x16xf32>,
        %get3A_95 = vector.shape_cast %get3A_94 : vector<1x16xf32> to vector<16xf32>
        %get3A_96 = arith.index_cast %scan3A_23 : i32 to index
        %get3A_97 = arith.constant 80 : index
        %get3A_98 = tpu.vector_load %arg8[%get3A_96, %get3A_97] {strides = array<i32>} : memref<112x128xf32, #tpu.memory_space<vmem>>, vector<1x16xf32>,
        %get3A_99 = vector.shape_cast %get3A_98 : vector<1x16xf32> to vector<16xf32>
        %add3A_100 = arith.addf %get3A_95, %get3A_99 : vector<16xf32>
        %swap3A_101 = arith.index_cast %scan3A_23 : i32 to index
        %swap3A_102 = arith.constant 80 : index
        %swap3A_103 = tpu.vector_load %arg7[%swap3A_101, %swap3A_102] {strides = array<i32>} : memref<112x128xf32, #tpu.memory_space<vmem>>, vector<1x16xf32>,
        %swap3A_104 = vector.shape_cast %swap3A_103 : vector<1x16xf32> to vector<16xf32>
        %swap3A_105 = vector.shape_cast %add3A_100 : vector<16xf32> to vector<1x16xf32>
        tpu.vector_store %arg7[%swap3A_101, %swap3A_102], %swap3A_105 {strides = array<i32>} : memref<112x128xf32, #tpu.memory_space<vmem>>, vector<1x16xf32>,
        %get3A_106 = arith.index_cast %scan3A_23 : i32 to index
        %get3A_107 = arith.constant 96 : index
        %get3A_108 = tpu.vector_load %arg7[%get3A_106, %get3A_107] {strides = array<i32>} : memref<112x128xf32, #tpu.memory_space<vmem>>, vector<1x16xf32>,
        %get3A_109 = vector.shape_cast %get3A_108 : vector<1x16xf32> to vector<16xf32>
        %get3A_110 = arith.index_cast %scan3A_23 : i32 to index
        %get3A_111 = arith.constant 96 : index
        %get3A_112 = tpu.vector_load %arg8[%get3A_110, %get3A_111] {strides = array<i32>} : memref<112x128xf32, #tpu.memory_space<vmem>>, vector<1x16xf32>,
        %get3A_113 = vector.shape_cast %get3A_112 : vector<1x16xf32> to vector<16xf32>
        %add3A_114 = arith.addf %get3A_109, %get3A_113 : vector<16xf32>
        %swap3A_115 = arith.index_cast %scan3A_23 : i32 to index
        %swap3A_116 = arith.constant 96 : index
        %swap3A_117 = tpu.vector_load %arg7[%swap3A_115, %swap3A_116] {strides = array<i32>} : memref<112x128xf32, #tpu.memory_space<vmem>>, vector<1x16xf32>,
        %swap3A_118 = vector.shape_cast %swap3A_117 : vector<1x16xf32> to vector<16xf32>
        %swap3A_119 = vector.shape_cast %add3A_114 : vector<16xf32> to vector<1x16xf32>
        tpu.vector_store %arg7[%swap3A_115, %swap3A_116], %swap3A_119 {strides = array<i32>} : memref<112x128xf32, #tpu.memory_space<vmem>>, vector<1x16xf32>,
        %get3A_120 = arith.index_cast %scan3A_23 : i32 to index
        %get3A_121 = arith.constant 112 : index
        %get3A_122 = tpu.vector_load %arg7[%get3A_120, %get3A_121] {strides = array<i32>} : memref<112x128xf32, #tpu.memory_space<vmem>>, vector<1x16xf32>,
        %get3A_123 = vector.shape_cast %get3A_122 : vector<1x16xf32> to vector<16xf32>
        %get3A_124 = arith.index_cast %scan3A_23 : i32 to index
        %get3A_125 = arith.constant 112 : index
        %get3A_126 = tpu.vector_load %arg8[%get3A_124, %get3A_125] {strides = array<i32>} : memref<112x128xf32, #tpu.memory_space<vmem>>, vector<1x16xf32>,
        %get3A_127 = vector.shape_cast %get3A_126 : vector<1x16xf32> to vector<16xf32>
        %add3A_128 = arith.addf %get3A_123, %get3A_127 : vector<16xf32>
        %swap3A_129 = arith.index_cast %scan3A_23 : i32 to index
        %swap3A_130 = arith.constant 112 : index
        %swap3A_131 = tpu.vector_load %arg7[%swap3A_129, %swap3A_130] {strides = array<i32>} : memref<112x128xf32, #tpu.memory_space<vmem>>, vector<1x16xf32>,
        %swap3A_132 = vector.shape_cast %swap3A_131 : vector<1x16xf32> to vector<16xf32>
        %swap3A_133 = vector.shape_cast %add3A_128 : vector<16xf32> to vector<1x16xf32>
        tpu.vector_store %arg7[%swap3A_129, %swap3A_130], %swap3A_133 {strides = array<i32>} : memref<112x128xf32, #tpu.memory_space<vmem>>, vector<1x16xf32>,
        %scan3A_134 = arith.constant 1 : i32
        %scan3A_135 = arith.addi %scan3A_23, %scan3A_134 : i32
        %get3A_136 = arith.index_cast %scan3A_135 : i32 to index
        %get3A_137 = arith.constant 0 : index
        %get3A_138 = tpu.vector_load %arg7[%get3A_136, %get3A_137] {strides = array<i32>} : memref<112x128xf32, #tpu.memory_space<vmem>>, vector<1x16xf32>,
        %get3A_139 = vector.shape_cast %get3A_138 : vector<1x16xf32> to vector<16xf32>
        %get3A_140 = arith.index_cast %scan3A_135 : i32 to index
        %get3A_141 = arith.constant 0 : index
        %get3A_142 = tpu.vector_load %arg8[%get3A_140, %get3A_141] {strides = array<i32>} : memref<112x128xf32, #tpu.memory_space<vmem>>, vector<1x16xf32>,
        %get3A_143 = vector.shape_cast %get3A_142 : vector<1x16xf32> to vector<16xf32>
        %add3A_144 = arith.addf %get3A_139, %get3A_143 : vector<16xf32>
        %swap3A_145 = arith.index_cast %scan3A_135 : i32 to index
        %swap3A_146 = arith.constant 0 : index
        %swap3A_147 = tpu.vector_load %arg7[%swap3A_145, %swap3A_146] {strides = array<i32>} : memref<112x128xf32, #tpu.memory_space<vmem>>, vector<1x16xf32>,
        %swap3A_148 = vector.shape_cast %swap3A_147 : vector<1x16xf32> to vector<16xf32>
        %swap3A_149 = vector.shape_cast %add3A_144 : vector<16xf32> to vector<1x16xf32>
        tpu.vector_store %arg7[%swap3A_145, %swap3A_146], %swap3A_149 {strides = array<i32>} : memref<112x128xf32, #tpu.memory_space<vmem>>, vector<1x16xf32>,
        %get3A_150 = arith.index_cast %scan3A_135 : i32 to index
        %get3A_151 = arith.constant 16 : index
        %get3A_152 = tpu.vector_load %arg7[%get3A_150, %get3A_151] {strides = array<i32>} : memref<112x128xf32, #tpu.memory_space<vmem>>, vector<1x16xf32>,
        %get3A_153 = vector.shape_cast %get3A_152 : vector<1x16xf32> to vector<16xf32>
        %get3A_154 = arith.index_cast %scan3A_135 : i32 to index
        %get3A_155 = arith.constant 16 : index
        %get3A_156 = tpu.vector_load %arg8[%get3A_154, %get3A_155] {strides = array<i32>} : memref<112x128xf32, #tpu.memory_space<vmem>>, vector<1x16xf32>,
        %get3A_157 = vector.shape_cast %get3A_156 : vector<1x16xf32> to vector<16xf32>
        %add3A_158 = arith.addf %get3A_153, %get3A_157 : vector<16xf32>
        %swap3A_159 = arith.index_cast %scan3A_135 : i32 to index
        %swap3A_160 = arith.constant 16 : index
        %swap3A_161 = tpu.vector_load %arg7[%swap3A_159, %swap3A_160] {strides = array<i32>} : memref<112x128xf32, #tpu.memory_space<vmem>>, vector<1x16xf32>,
        %swap3A_162 = vector.shape_cast %swap3A_161 : vector<1x16xf32> to vector<16xf32>
        %swap3A_163 = vector.shape_cast %add3A_158 : vector<16xf32> to vector<1x16xf32>
        tpu.vector_store %arg7[%swap3A_159, %swap3A_160], %swap3A_163 {strides = array<i32>} : memref<112x128xf32, #tpu.memory_space<vmem>>, vector<1x16xf32>,
        %get3A_164 = arith.index_cast %scan3A_135 : i32 to index
        %get3A_165 = arith.constant 32 : index
        %get3A_166 = tpu.vector_load %arg7[%get3A_164, %get3A_165] {strides = array<i32>} : memref<112x128xf32, #tpu.memory_space<vmem>>, vector<1x16xf32>,
        %get3A_167 = vector.shape_cast %get3A_166 : vector<1x16xf32> to vector<16xf32>
        %get3A_168 = arith.index_cast %scan3A_135 : i32 to index
        %get3A_169 = arith.constant 32 : index
        %get3A_170 = tpu.vector_load %arg8[%get3A_168, %get3A_169] {strides = array<i32>} : memref<112x128xf32, #tpu.memory_space<vmem>>, vector<1x16xf32>,
        %get3A_171 = vector.shape_cast %get3A_170 : vector<1x16xf32> to vector<16xf32>
        %add3A_172 = arith.addf %get3A_167, %get3A_171 : vector<16xf32>
        %swap3A_173 = arith.index_cast %scan3A_135 : i32 to index
        %swap3A_174 = arith.constant 32 : index
        %swap3A_175 = tpu.vector_load %arg7[%swap3A_173, %swap3A_174] {strides = array<i32>} : memref<112x128xf32, #tpu.memory_space<vmem>>, vector<1x16xf32>,
        %swap3A_176 = vector.shape_cast %swap3A_175 : vector<1x16xf32> to vector<16xf32>
        %swap3A_177 = vector.shape_cast %add3A_172 : vector<16xf32> to vector<1x16xf32>
        tpu.vector_store %arg7[%swap3A_173, %swap3A_174], %swap3A_177 {strides = array<i32>} : memref<112x128xf32, #tpu.memory_space<vmem>>, vector<1x16xf32>,
        %get3A_178 = arith.index_cast %scan3A_135 : i32 to index
        %get3A_179 = arith.constant 48 : index
        %get3A_180 = tpu.vector_load %arg7[%get3A_178, %get3A_179] {strides = array<i32>} : memref<112x128xf32, #tpu.memory_space<vmem>>, vector<1x16xf32>,
        %get3A_181 = vector.shape_cast %get3A_180 : vector<1x16xf32> to vector<16xf32>
        %get3A_182 = arith.index_cast %scan3A_135 : i32 to index
        %get3A_183 = arith.constant 48 : index
        %get3A_184 = tpu.vector_load %arg8[%get3A_182, %get3A_183] {strides = array<i32>} : memref<112x128xf32, #tpu.memory_space<vmem>>, vector<1x16xf32>,
        %get3A_185 = vector.shape_cast %get3A_184 : vector<1x16xf32> to vector<16xf32>
        %add3A_186 = arith.addf %get3A_181, %get3A_185 : vector<16xf32>
        %swap3A_187 = arith.index_cast %scan3A_135 : i32 to index
        %swap3A_188 = arith.constant 48 : index
        %swap3A_189 = tpu.vector_load %arg7[%swap3A_187, %swap3A_188] {strides = array<i32>} : memref<112x128xf32, #tpu.memory_space<vmem>>, vector<1x16xf32>,
        %swap3A_190 = vector.shape_cast %swap3A_189 : vector<1x16xf32> to vector<16xf32>
        %swap3A_191 = vector.shape_cast %add3A_186 : vector<16xf32> to vector<1x16xf32>
        tpu.vector_store %arg7[%swap3A_187, %swap3A_188], %swap3A_191 {strides = array<i32>} : memref<112x128xf32, #tpu.memory_space<vmem>>, vector<1x16xf32>,
        %get3A_192 = arith.index_cast %scan3A_135 : i32 to index
        %get3A_193 = arith.constant 64 : index
        %get3A_194 = tpu.vector_load %arg7[%get3A_192, %get3A_193] {strides = array<i32>} : memref<112x128xf32, #tpu.memory_space<vmem>>, vector<1x16xf32>,
        %get3A_195 = vector.shape_cast %get3A_194 : vector<1x16xf32> to vector<16xf32>
        %get3A_196 = arith.index_cast %scan3A_135 : i32 to index
        %get3A_197 = arith.constant 64 : index
        %get3A_198 = tpu.vector_load %arg8[%get3A_196, %get3A_197] {strides = array<i32>} : memref<112x128xf32, #tpu.memory_space<vmem>>, vector<1x16xf32>,
        %get3A_199 = vector.shape_cast %get3A_198 : vector<1x16xf32> to vector<16xf32>
        %add3A_200 = arith.addf %get3A_195, %get3A_199 : vector<16xf32>
        %swap3A_201 = arith.index_cast %scan3A_135 : i32 to index
        %swap3A_202 = arith.constant 64 : index
        %swap3A_203 = tpu.vector_load %arg7[%swap3A_201, %swap3A_202] {strides = array<i32>} : memref<112x128xf32, #tpu.memory_space<vmem>>, vector<1x16xf32>,
        %swap3A_204 = vector.shape_cast %swap3A_203 : vector<1x16xf32> to vector<16xf32>
        %swap3A_205 = vector.shape_cast %add3A_200 : vector<16xf32> to vector<1x16xf32>
        tpu.vector_store %arg7[%swap3A_201, %swap3A_202], %swap3A_205 {strides = array<i32>} : memref<112x128xf32, #tpu.memory_space<vmem>>, vector<1x16xf32>,
        %get3A_206 = arith.index_cast %scan3A_135 : i32 to index
        %get3A_207 = arith.constant 80 : index
        %get3A_208 = tpu.vector_load %arg7[%get3A_206, %get3A_207] {strides = array<i32>} : memref<112x128xf32, #tpu.memory_space<vmem>>, vector<1x16xf32>,
        %get3A_209 = vector.shape_cast %get3A_208 : vector<1x16xf32> to vector<16xf32>
        %get3A_210 = arith.index_cast %scan3A_135 : i32 to index
        %get3A_211 = arith.constant 80 : index
        %get3A_212 = tpu.vector_load %arg8[%get3A_210, %get3A_211] {strides = array<i32>} : memref<112x128xf32, #tpu.memory_space<vmem>>, vector<1x16xf32>,
        %get3A_213 = vector.shape_cast %get3A_212 : vector<1x16xf32> to vector<16xf32>
        %add3A_214 = arith.addf %get3A_209, %get3A_213 : vector<16xf32>
        %swap3A_215 = arith.index_cast %scan3A_135 : i32 to index
        %swap3A_216 = arith.constant 80 : index
        %swap3A_217 = tpu.vector_load %arg7[%swap3A_215, %swap3A_216] {strides = array<i32>} : memref<112x128xf32, #tpu.memory_space<vmem>>, vector<1x16xf32>,
        %swap3A_218 = vector.shape_cast %swap3A_217 : vector<1x16xf32> to vector<16xf32>
        %swap3A_219 = vector.shape_cast %add3A_214 : vector<16xf32> to vector<1x16xf32>
        tpu.vector_store %arg7[%swap3A_215, %swap3A_216], %swap3A_219 {strides = array<i32>} : memref<112x128xf32, #tpu.memory_space<vmem>>, vector<1x16xf32>,
        %get3A_220 = arith.index_cast %scan3A_135 : i32 to index
        %get3A_221 = arith.constant 96 : index
        %get3A_222 = tpu.vector_load %arg7[%get3A_220, %get3A_221] {strides = array<i32>} : memref<112x128xf32, #tpu.memory_space<vmem>>, vector<1x16xf32>,
        %get3A_223 = vector.shape_cast %get3A_222 : vector<1x16xf32> to vector<16xf32>
        %get3A_224 = arith.index_cast %scan3A_135 : i32 to index
        %get3A_225 = arith.constant 96 : index
        %get3A_226 = tpu.vector_load %arg8[%get3A_224, %get3A_225] {strides = array<i32>} : memref<112x128xf32, #tpu.memory_space<vmem>>, vector<1x16xf32>,
        %get3A_227 = vector.shape_cast %get3A_226 : vector<1x16xf32> to vector<16xf32>
        %add3A_228 = arith.addf %get3A_223, %get3A_227 : vector<16xf32>
        %swap3A_229 = arith.index_cast %scan3A_135 : i32 to index
        %swap3A_230 = arith.constant 96 : index
        %swap3A_231 = tpu.vector_load %arg7[%swap3A_229, %swap3A_230] {strides = array<i32>} : memref<112x128xf32, #tpu.memory_space<vmem>>, vector<1x16xf32>,
        %swap3A_232 = vector.shape_cast %swap3A_231 : vector<1x16xf32> to vector<16xf32>
        %swap3A_233 = vector.shape_cast %add3A_228 : vector<16xf32> to vector<1x16xf32>
        tpu.vector_store %arg7[%swap3A_229, %swap3A_230], %swap3A_233 {strides = array<i32>} : memref<112x128xf32, #tpu.memory_space<vmem>>, vector<1x16xf32>,
        %get3A_234 = arith.index_cast %scan3A_135 : i32 to index
        %get3A_235 = arith.constant 112 : index
        %get3A_236 = tpu.vector_load %arg7[%get3A_234, %get3A_235] {strides = array<i32>} : memref<112x128xf32, #tpu.memory_space<vmem>>, vector<1x16xf32>,
        %get3A_237 = vector.shape_cast %get3A_236 : vector<1x16xf32> to vector<16xf32>
        %get3A_238 = arith.index_cast %scan3A_135 : i32 to index
        %get3A_239 = arith.constant 112 : index
        %get3A_240 = tpu.vector_load %arg8[%get3A_238, %get3A_239] {strides = array<i32>} : memref<112x128xf32, #tpu.memory_space<vmem>>, vector<1x16xf32>,
        %get3A_241 = vector.shape_cast %get3A_240 : vector<1x16xf32> to vector<16xf32>
        %add3A_242 = arith.addf %get3A_237, %get3A_241 : vector<16xf32>
        %swap3A_243 = arith.index_cast %scan3A_135 : i32 to index
        %swap3A_244 = arith.constant 112 : index
        %swap3A_245 = tpu.vector_load %arg7[%swap3A_243, %swap3A_244] {strides = array<i32>} : memref<112x128xf32, #tpu.memory_space<vmem>>, vector<1x16xf32>,
        %swap3A_246 = vector.shape_cast %swap3A_245 : vector<1x16xf32> to vector<16xf32>
        %swap3A_247 = vector.shape_cast %add3A_242 : vector<16xf32> to vector<1x16xf32>
        tpu.vector_store %arg7[%swap3A_243, %swap3A_244], %swap3A_247 {strides = array<i32>} : memref<112x128xf32, #tpu.memory_space<vmem>>, vector<1x16xf32>,
      }
      %scan3A_22 = arith.constant 112 : i32
      "tpu.region"() ({
        %run_scoped3A = tpu.sem_alloc : memref<!tpu.dma_semaphore, #tpu.memory_space<semaphore_mem>>
        %dma_start3A_23 = arith.constant 0 : i32
        %dma_start3A_24 = tpu.memref_slice %arg5[%add3A_12, %dma_start3A_23] : memref<100000x128xf32, #tpu.memory_space<hbm>> -> memref<112x128xf32, #tpu.memory_space<hbm>>
        %dma_start3A_25 = arith.constant 0 : i32
        %dma_start3A_26 = tpu.memref_slice %arg5[%add3A_12, %dma_start3A_25] : memref<100000x128xf32, #tpu.memory_space<hbm>> -> memref<112x128xf32, #tpu.memory_space<hbm>>
        tpu.enqueue_dma source(%arg7 : memref<112x128xf32, #tpu.memory_space<vmem>>) target(%dma_start3A_26 : memref<112x128xf32, #tpu.memory_space<hbm>>) target_semaphore(%run_scoped3A : memref<!tpu.dma_semaphore, #tpu.memory_space<semaphore_mem>>)
        %dma_wait3A_27 = arith.constant 0 : i32
        %dma_wait3A_28 = tpu.memref_slice %arg5[%add3A_12, %dma_wait3A_27] : memref<100000x128xf32, #tpu.memory_space<hbm>> -> memref<112x128xf32, #tpu.memory_space<hbm>>
        %dma_wait3A_29 = arith.constant 0 : i32
        %dma_wait3A_30 = tpu.memref_slice %arg5[%add3A_12, %dma_wait3A_29] : memref<100000x128xf32, #tpu.memory_space<hbm>> -> memref<112x128xf32, #tpu.memory_space<hbm>>
        tpu.wait_dma2 semaphore(%run_scoped3A : memref<!tpu.dma_semaphore, #tpu.memory_space<semaphore_mem>>) src(%arg7 : memref<112x128xf32, #tpu.memory_space<vmem>>) dst(%dma_wait3A_30 : memref<112x128xf32, #tpu.memory_space<hbm>>)
        tpu.yield
      }) : () -> ()
    }
    %scan3A_8 = arith.constant 28 : i32
    return
  }
}

</mosaic_0001>

<sc_bundles>
// kernel: _run.3.cloned.1.call-start
scs
__scs_entry_jumppad:
0x0: {  	(pc) =	sbr.rel $0x88, $3  }
0x1: {  	(tag) =	ssettag $0x0;
	lr =	simm.s32 $0x1  }
0x2: {  	[smem:$0x3F9E] =	sst lr;
	_ =	strace $0xD0000000  }
0x3: {  	_ = 	snop  }
0x4: {  	_ = 	snop  }
0x5: {  	_ = 	snop  }
0x6: {  	_ = 	snop  }
0x7: {  	_ = 	snop  }
__scs_overlays_trampoline_lowered:
0x8: {  	[smem:$0x3FAD] =	sst s0  }
0x9: {  	[smem:$0x3FAE] =	sst s1  }
0xa: {  	[smem:$0x3FAF] =	sst s2  }
0xb: {  	[smem:$0x3FB0] =	sst s3  }
0xc: {  	[smem:$0x3FB1] =	sst s4  }
0xd: {  	[smem:$0x3FB2] =	sst s5  }
0xe: {  	[smem:$0x3FB3] =	sst s6  }
0xf: {  	[smem:$0x3FB4] =	sst s7  }
0x10: {  	[smem:$0x3FB5] =	sst s8  }
0x11: {  	[smem:$0x3FB6] =	sst s9;
	s0 =	simm.s32 @!p0 $0x0  }
0x12: {  	s1 =	sld [smem:$0x3F9C];
	s0 =	simm.s32 @p0 $0x1  }
0x13: {  	[smem:$0x3FB7] =	sst s0;
	s0 =	simm.s32 @!p1 $0x0  }
0x14: {  	s2 =	sld [smem:$0x3F9B];
	s0 =	simm.s32 @p1 $0x1  }
0x15: {  	[smem:$0x3FB8] =	sst s0;
	s0 =	simm.s32 @!p2 $0x0  }
0x16: {  	s3 =	sld [smem:$0x3FDB];
	s0 =	simm.s32 @p2 $0x1  }
0x17: {  	s4 =	simm.s32 $0x1BF5;
	[smem:$0x3FBA] =	sst s0  }
0x18: {  	s0 =	sld [smem:$0x3F9D];
	_ =	swait.ge [sflag:s4], $0x0  }
0x19: {  	s7 =	sld [smem:$0x3F9E]  }
0x1a: {  	s8 =	sadd.s32 $0xFFFFE003, lr  }
0x1b: {  	s9 =	sadd.s32 $0xFFFFFEF7, lr;
	s5 =	simm.s32 $0xFFFFFFFF;
	p2 =	slt.u32 s8, $0xFFFFF086  }
0x1c: {  	p1 =	slt.u32 s9, $0xF7A;
	s5 =	simm.s32 @!p2 $0x0  }
0x1d: {  	s5 =	simm.s32 @p1 $0x1;
	p0 =	seq.s32 s7, s2  }
0x1e: {  	s7 =	smul.u32 @!p0 $0xF7A, s2;
	p2 =	seq.s32 @!p0 s5, $0x0  }
0x1f: {  	s9 =	smul.u32 $0xF7A, s1;
	s8 =	simm.s32 @!p0 $0x1BF5;
	p2 =	por !p2, p0  }
0x20: {  	[sflag:s8] =	ssyncset.s32 @!p0 $0xFFFFF086;
	s6 =	sadd.s32 @!p0 s3, s7;
	s7 =	simm.s32 @!p0 $0x108  }
0x21: {  	s3 =	sadd.s32 s3, s9;
	s6 =	sadd.s32 @!p0 $0x88, s6;
	s7 =	simm.s32 @p2 $0x1082  }
0x22: {  	[simem:s7], [sflag:s8] =	dma.local @!p0 [hbm:s6], $0xF7A  }
0x23: {  	s9 =	sor.u32 $0xD0000000, s2;
	s6 =	simm.s32 $0x108;
	_ =	swait.ge @!p0 [sflag:s8], $0x0  }
0x24: {  	s3 =	sadd.s32 $0x88, s3;
	s6 =	simm.s32 @!p1 $0x1082;
	[sflag:s4] =	ssyncset.s32 $0xFFFFF086  }
0x25: {  	[simem:s6], [sflag:s4] =	dma.local [hbm:s3], $0xF7A  }
0x26: {  	[smem:$0x3F9E] =	sst s1;
	(tag) =	ssettag s2;
	_ =	strace s9  }
0x27: {  	s1 =	sld [smem:$0x3FAE]  }
0x28: {  	s2 =	sld [smem:$0x3FAF]  }
0x29: {  	s4 =	sld [smem:$0x3FB1]  }
0x2a: {  	p0 =	seq.s32 s5, $0x0;
	s5 =	sld [smem:$0x3FB2]  }
0x2b: {  	s6 =	sld [smem:$0x3FB3]  }
0x2c: {  	s7 =	sld [smem:$0x3FB4]  }
0x2d: {  	s3 =	simm.s32 $0x108;
	s8 =	sld [smem:$0x3FB5]  }
0x2e: {  	s3 =	simm.s32 @!p0 $0x1082;
	s9 =	sld [smem:$0x3FB6]  }
0x2f: {  	lr =	sadd.s32 s0, s3;
	s0 =	sld [smem:$0x3FAD]  }
0x30: {  	s3 =	sld [smem:$0x3FB0]  }
0x31: {  	[smem:$0x3FB9] =	sst s10  }
0x32: {  	s10 =	sld [smem:$0x3FB7];
	_ =	sdelay $0x3  }
0x33: {  	p0 =	seq.s32 s10, $0x1;
	s10 =	sld [smem:$0x3FB9];
	_ =	sdelay $0x3  }
0x34: {  	[smem:$0x3FB9] =	sst s10  }
0x35: {  	s10 =	sld [smem:$0x3FB8];
	_ =	sdelay $0x3  }
0x36: {  	p1 =	seq.s32 s10, $0x1;
	s10 =	sld [smem:$0x3FB9];
	_ =	sdelay $0x3  }
0x37: {  	[smem:$0x3FB9] =	sst s10  }
0x38: {  	s10 =	sld [smem:$0x3FBA]  }
0x39: {  	_ = 	snop;
	(pc) =	sbr.ind lr, $3  }
0x3a: {  	_ = 	snop  }
0x3b: {  	_ = 	snop  }
0x3c: {  	p2 =	seq.s32 s10, $0x1;
	s10 =	sld [smem:$0x3FB9]  }
0x3d: {  	_ =	shalt  }
0x3e: {  	_ =	shalt  }
0x3f: {  	_ =	shalt  }
0x40: {  	_ =	shalt  }
0x41: {  	_ =	shalt  }
0x42: {  	_ =	shalt  }
0x43: {  	_ =	shalt  }
0x44: {  	_ =	shalt  }
0x45: {  	_ =	shalt  }
0x46: {  	_ =	shalt  }
0x47: {  	_ =	shalt  }
0x48: {  	_ =	shalt  }
0x49: {  	_ =	shalt  }
0x4a: {  	_ =	shalt  }
0x4b: {  	_ =	shalt  }
0x4c: {  	_ =	shalt  }
0x4d: {  	_ =	shalt  }
0x4e: {  	_ =	shalt  }
0x4f: {  	_ =	shalt  }
0x50: {  	_ =	shalt  }
0x51: {  	_ =	shalt  }
0x52: {  	_ =	shalt  }
0x53: {  	_ =	shalt  }
0x54: {  	_ =	shalt  }
0x55: {  	_ =	shalt  }
0x56: {  	_ =	shalt  }
0x57: {  	_ =	shalt  }
0x58: {  	_ =	shalt  }
0x59: {  	_ =	shalt  }
0x5a: {  	_ =	shalt  }
0x5b: {  	_ =	shalt  }
0x5c: {  	_ =	shalt  }
0x5d: {  	_ =	shalt  }
0x5e: {  	_ =	shalt  }
0x5f: {  	_ =	shalt  }
0x60: {  	_ =	shalt  }
0x61: {  	_ =	shalt  }
0x62: {  	_ =	shalt  }
0x63: {  	_ =	shalt  }
0x64: {  	_ =	shalt  }
0x65: {  	_ =	shalt  }
0x66: {  	_ =	shalt  }
0x67: {  	_ =	shalt  }
0x68: {  	_ =	shalt  }
0x69: {  	_ =	shalt  }
0x6a: {  	_ =	shalt  }
0x6b: {  	_ =	shalt  }
0x6c: {  	_ =	shalt  }
0x6d: {  	_ =	shalt  }
0x6e: {  	_ =	shalt  }
0x6f: {  	_ =	shalt  }
0x70: {  	_ =	shalt  }
0x71: {  	_ =	shalt  }
0x72: {  	_ =	shalt  }
0x73: {  	_ =	shalt  }
0x74: {  	_ =	shalt  }
0x75: {  	_ =	shalt  }
0x76: {  	_ =	shalt  }
0x77: {  	_ =	shalt  }
0x78: {  	_ =	shalt  }
0x79: {  	_ =	shalt  }
0x7a: {  	_ =	shalt  }
0x7b: {  	_ =	shalt  }
0x7c: {  	_ =	shalt  }
0x7d: {  	_ =	shalt  }
0x7e: {  	_ =	shalt  }
0x7f: {  	_ =	shalt  }
0x80: {  	_ =	shalt  }
0x81: {  	_ =	shalt  }
0x82: {  	_ =	shalt  }
0x83: {  	_ =	shalt  }
0x84: {  	_ =	shalt  }
0x85: {  	_ =	shalt  }
0x86: {  	_ =	shalt  }
0x87: {  	_ =	shalt  }
.Lfunc_end0:
.L_simem_size_0:
called_computation_lowered:
.L_overlay_start_0:
0x88: {  	s2 =	sld [smem:$0x3FD9]  }
0x89: {  	s3 =	sld [smem:$0x3FFE];
	_ =	sdelay $0x1  }
0x8a: {  	s1 =	srdreg.scid  }
0x8b: {  	s0 =	sand.u32 $0x1, s1  }
0x8c: {  	s18 =	sshll.u32 s0, $0xA;
	s2 =	sadd.s32 s3, s2  }
0x8d: {  	s2 =	sadd.s32 s2, s18  }
0x8e: {  	[smem:$0x3FC5] =	sst s2  }
0x8f: {  	_ = 	snop  }
0x90: {  	s2 =	sld [smem:$0x3FC9]  }
0x91: {  	s19 =	sld [smem:$0x3FC8]  }
0x92: {  	s4 =	sld [smem:$0x3FC7]  }
0x93: {  	s5 =	sld [smem:$0x3FD0];
	(tm) =	ssettm $0x1  }
0x94: {  	s6 =	sld [smem:$0x3FFB];
	_ =	sdelay $0x3  }
0x95: {  	_ =	strace s6  }
0x96: {  	s6 =	sld [smem:$0x3FFC];
	_ =	sdelay $0x3  }
0x97: {  	_ =	strace s6  }
0x98: {  	s6 =	sld [smem:$0x3FFD];
	_ =	sdelay $0x3  }
0x99: {  	_ =	strace s6  }
0x9a: {  	_ =	strace $0x8FFFFFFF  }
0x9b: {  	s20 =	sld [smem:$0x3FDB];
	_ =	sdelay $0x1  }
0x9c: {  	s7 =	simm.s32 $_scs_section_size  }
0x9d: {  	s8 =	simm.s32 $_size__tile_overlayer_lowered;
	s9 =	simm.s32 $_tile_overlayer_lowered  }
0x9e: {  	s23 =	simm.s32 $0x1BFF;
	s22 =	sshll.u32 s9, $0x1;
	s6 =	sadd.s32 s7, s20  }
0x9f: {  	s10 =	simm.s32 $0x0;
	s21 =	sshll.u32 s8, $0x1;
	s8 =	sadd.s32 s22, s6  }
0xa0: {  	[timem:s10], [sflag:s23] =	dma.local [hbm:s8], s21  }
0xa1: {  	_ =	swait.ge [sflag:s23], s21  }
0xa2: {  	s7 =	ssub.s32 $0x0, s21;
	[sflag:s23] =	ssyncset.done $0x0  }
0xa3: {  	[sflag:s23] =	ssyncadd.s32 s7;
	_ =	sdelay $0x1  }
0xa4: {  	s24 =	simm.s32 $0x1B8B  }
0xa5: {  	_ =	swait.ge [sflag:s24], $0x1  }
0xa6: {  	[sflag:s24] =	ssyncset.done $0x0  }
0xa7: {  	s25 =	simm.s32 $0x1B8E;
	[sflag:s24] =	ssyncadd.s32 $0xFFFFFFFF  }
0xa8: {  	s26 =	simm.s32 $execute0_lowered;
	[smem:$0x3FD2] =	sst s25  }
0xa9: {  	s7 =	sshll.u32 s26, $0x1;
	_ =	strace $0x80000046;
	[dreg:$0x1] =	wrdreg $0xFFFFFFFF  }
0xaa: {  	s28 =	simm.s32 $_size_execute0_lowered;
	s6 =	sadd.s32 s6, s7;
	[dreg:$0x0] =	wrdreg $0x0  }
0xab: {  	s7 =	sshll.u32 s28, $0x1;
	[dreg:$0x2] =	wrdreg s6  }
0xac: {  	[dreg:$0x3] =	wrdreg s7  }
0xad: {  	[dreg:$0x4] =	wrdreg $0xC0  }
0xae: {  	_ =	task [dreg:s10], $0x5FFFF  }
0xaf: {  	[dreg:$0x1] =	wrdreg $0xFFFFFFFF  }
0xb0: {  	[dreg:$0x0] =	wrdreg $0x60  }
0xb1: {  	[dreg:$0x2] =	wrdreg s2  }
0xb2: {  	[dreg:$0x3] =	wrdreg s19  }
0xb3: {  	[dreg:$0x4] =	wrdreg s4  }
0xb4: {  	[dreg:$0x5] =	wrdreg s5  }
0xb5: {  	[dreg:$0x6] =	wrdreg $0x9  }
0xb6: {  	_ =	task.clear_ibuf [dreg:s10], $0x7FFFF;
	_ =	strace $0x90000046  }
0xb7: {  	s29 =	simm.s32 $0x9;
	_ =	strace $0x80000048  }
0xb8: {  	_ =	swait.ge [sflag:s29], $0x1  }
0xb9: {  	[sflag:s29] =	ssyncadd.s32 $0xFFFFFFFF  }
0xba: {  	_ =	strace $0x90000048  }
0xbb: {  	_ =	sfence  }
0xbc: {  	s30 =	sld [smem:$0x0];
	_ =	sdelay $0x2  }
0xbd: {  	s31 =	sshll.u32 s1, $0xD;
	s1 =	sshrl.u32 s1, $0x2  }
0xbe: {  	s3 =	sand.u32 $0x4000, s31;
	s1 =	sadd.s32 s1, s30  }
0xbf: {  	s0 =	sor.u32 s3, s0;
	s1 =	sshll.u32 s1, $0x11  }
0xc0: {  	s0 =	sor.u32 s1, s0  }
0xc1: {  	s0 =	sadd.s32 $0x8F2B, s0  }
0xc2: {  	[sflag:s0] =	ssyncadd.remote.s32 $0x1  }
0xc3: {  	_ =	sfence.sel $0xFFFF  }
0xc4: {  	[dreg:$0x0] =	wrdreg $0xFFFFFFFF;
	(pc) =	sbr.abs _section_cstart, $3  }
0xc5: {  	[dreg:$0x1] =	wrdreg $0xFFFFFFFF  }
0xc6: {  	_ =	task.clear_ibuf [dreg:s10], $0x2FFFF;
	_ =	strace $0x9FFFFFFF  }
0xc7: {  	(tm) =	ssettm $0x7FFFFFFF  }
tec
execute0_lowered:
.L_overlay_start_1:
0x0: {  	(tag) =	ssettag $0x1  }
0x1: {  	s1 =	rddreg [dreg:$0x0]  }
0x2: {  	s2 =	rddreg [dreg:$0x1]  }
0x3: {  	s4 =	rddreg [dreg:$0x2];
	s3 =	srdreg.scid  }
0x4: {  	s0 =	stileid.u32;
	s5 =	rddreg [dreg:$0x3];
	s10 =	simm.s32 $0x80  }
0x5: {  	s11 =	simm.s32 $0x70;
	s12 =	simm.s32 $0x3880;
	s13 =	simm.s32 $0x1  }
0x6: {  	s14 =	simm.s32 $0x0;
	s6 =	sand.u32 $0x1, s3;
	s7 =	sshll.u32 s0, $0x1  }
0x7: {  	s8 =	ssub.s32 $0x2, s6;
	s7 =	sor.u32 s6, s7;
	s6 =	simm.s32 $0x0  }
0x8: {  	s9 =	sshrl.u32 s8, $0x1;
	s7 =	smul.u32 $0xC40, s7;
	[smem:$0x7FF] =	sst s6  }
0x9: {  	s3 =	rddreg [dreg:$0x4];
	s8 =	ssub.s32 s8, s9;
	_ =	strace $0x80000047  }
0xa: {  	s9 =	simm.s32 $0x2;
	s7 =	smin.u32 s7, $0x17A60;
	s8 =	smax.u32 s8, $0x1  }
.LBB2_1:
0xb: {  	s15 =	simm.s32 $0x0  }
.LBB2_2:
0xc: {  	s16 =	smul.u32 $0x70, s15;
	_ =	sdelay $0x1  }
0xd: {  	s16 =	sadd.s32 s7, s16  }
0xe: {  	s17 =	sshrl.u32 s16, $0x3  }
0xf: {  	s17 =	sadd.s32 s1, s17  }
0x10: {  	[tilespmem:s6], [sflag:$0x2] =	stream.linear.gather [hbm4b:s17+s6], $0x70, $0x38;
	[tilespmem:$0x7080] =	vst v63  }
0x11: {  	_ =	swait.ge [sflag:s9], $0x70  }
0x12: {  	s16 =	sshll.u32 s16, $0x4;
	[sflag:s9] =	ssyncset.done $0x0  }
0x13: {  	s31 =	sadd.s32 s2, s16;
	[sflag:s9] =	ssyncadd.s32 $0xFFFFFF90  }
0x14: {  	[tilespmem:s10], [sflag:$0x2] =	stream.linear.gather [hbm4b:s31+s6], $0x3800, $0x38;
	[tilespmem:$0x7080] =	vst v63  }
0x15: {  	_ =	swait.ge [sflag:s9], $0x3800  }
0x16: {  	[sflag:s9] =	ssyncset.done $0x0  }
0x17: {  	[sflag:s9] =	ssyncadd.s32 $0xFFFFC800  }
0x18: {  	[tilespmem:s12], [sflag:$0x1] =	stream.indirect.gather [hbm4b:s4+s11], $0x80, s6, s11, $0xb8;
	[tilespmem:$0x7080] =	vst v63  }
0x19: {  	_ =	swait.ge [sflag:s13], $0x3800  }
0x1a: {  	[sflag:s13] =	ssyncset.done $0x0  }
0x1b: {  	s17 =	simm.s32 $0x100;
	[sflag:s13] =	ssyncadd.s32 $0xFFFFC800  }
0x1c: {  	s18 =	simm.s32 $0x3900;
	v0 =	vld [tilespmem:s17+$0xFFFFFF80]  }
0x1d: {  	v1 =	vld [tilespmem:s18+$0xFFFFFF80];
	_ =	sdelay $0x4  }
0x1e: {  	v0 =	vadd.f32 v1, v0;
	_ =	sdelay $0x1  }
0x1f: {  	[tilespmem:s17+$0xFFFFFF80] =	vst v0;
	v0 =	vld [tilespmem:s17+$0xFFFFFF90]  }
0x20: {  	v1 =	vld [tilespmem:s18+$0xFFFFFF90];
	_ =	sdelay $0x4  }
0x21: {  	v0 =	vadd.f32 v1, v0;
	_ =	sdelay $0x1  }
0x22: {  	[tilespmem:s17+$0xFFFFFF90] =	vst v0;
	v0 =	vld [tilespmem:s17+$0xFFFFFFA0]  }
0x23: {  	v1 =	vld [tilespmem:s18+$0xFFFFFFA0];
	_ =	sdelay $0x4  }
0x24: {  	v0 =	vadd.f32 v1, v0;
	_ =	sdelay $0x1  }
0x25: {  	[tilespmem:s17+$0xFFFFFFA0] =	vst v0;
	v0 =	vld [tilespmem:s17+$0xFFFFFFB0]  }
0x26: {  	v1 =	vld [tilespmem:s18+$0xFFFFFFB0];
	_ =	sdelay $0x4  }
0x27: {  	v0 =	vadd.f32 v1, v0;
	_ =	sdelay $0x1  }
0x28: {  	[tilespmem:s17+$0xFFFFFFB0] =	vst v0;
	v0 =	vld [tilespmem:s17+$0xFFFFFFC0]  }
0x29: {  	v1 =	vld [tilespmem:s18+$0xFFFFFFC0];
	_ =	sdelay $0x4  }
0x2a: {  	v0 =	vadd.f32 v1, v0;
	_ =	sdelay $0x1  }
0x2b: {  	[tilespmem:s17+$0xFFFFFFC0] =	vst v0;
	v0 =	vld [tilespmem:s17+$0xFFFFFFD0]  }
0x2c: {  	v1 =	vld [tilespmem:s18+$0xFFFFFFD0];
	_ =	sdelay $0x4  }
0x2d: {  	v0 =	vadd.f32 v1, v0;
	_ =	sdelay $0x1  }
0x2e: {  	[tilespmem:s17+$0xFFFFFFD0] =	vst v0;
	v0 =	vld [tilespmem:s17+$0xFFFFFFE0]  }
0x2f: {  	v1 =	vld [tilespmem:s18+$0xFFFFFFE0];
	_ =	sdelay $0x4  }
0x30: {  	v0 =	vadd.f32 v1, v0;
	_ =	sdelay $0x1  }
0x31: {  	[tilespmem:s17+$0xFFFFFFE0] =	vst v0;
	v0 =	vld [tilespmem:s17+$0xFFFFFFF0]  }
0x32: {  	v1 =	vld [tilespmem:s18+$0xFFFFFFF0];
	_ =	sdelay $0x4  }
0x33: {  	v0 =	vadd.f32 v1, v0;
	_ =	sdelay $0x1  }
0x34: {  	[tilespmem:s17+$0xFFFFFFF0] =	vst v0;
	v0 =	vld [tilespmem:s17+$0x0]  }
0x35: {  	v1 =	vld [tilespmem:s18+$0x0];
	_ =	sdelay $0x4  }
0x36: {  	v0 =	vadd.f32 v1, v0;
	_ =	sdelay $0x1  }
0x37: {  	[tilespmem:s17+$0x0] =	vst v0;
	v0 =	vld [tilespmem:s17+$0x10]  }
0x38: {  	v1 =	vld [tilespmem:s18+$0x10];
	_ =	sdelay $0x4  }
0x39: {  	v0 =	vadd.f32 v1, v0;
	_ =	sdelay $0x1  }
0x3a: {  	[tilespmem:s17+$0x10] =	vst v0;
	v0 =	vld [tilespmem:s17+$0x20]  }
0x3b: {  	v1 =	vld [tilespmem:s18+$0x20];
	_ =	sdelay $0x4  }
0x3c: {  	v0 =	vadd.f32 v1, v0;
	_ =	sdelay $0x1  }
0x3d: {  	[tilespmem:s17+$0x20] =	vst v0;
	v0 =	vld [tilespmem:s17+$0x30]  }
0x3e: {  	v1 =	vld [tilespmem:s18+$0x30];
	_ =	sdelay $0x4  }
0x3f: {  	v0 =	vadd.f32 v1, v0;
	_ =	sdelay $0x1  }
0x40: {  	[tilespmem:s17+$0x30] =	vst v0;
	v0 =	vld [tilespmem:s17+$0x40]  }
0x41: {  	v1 =	vld [tilespmem:s18+$0x40];
	_ =	sdelay $0x4  }
0x42: {  	v0 =	vadd.f32 v1, v0;
	_ =	sdelay $0x1  }
0x43: {  	[tilespmem:s17+$0x40] =	vst v0;
	v0 =	vld [tilespmem:s17+$0x50]  }
0x44: {  	v1 =	vld [tilespmem:s18+$0x50];
	_ =	sdelay $0x4  }
0x45: {  	v0 =	vadd.f32 v1, v0;
	_ =	sdelay $0x1  }
0x46: {  	[tilespmem:s17+$0x50] =	vst v0;
	v0 =	vld [tilespmem:s17+$0x60]  }
0x47: {  	v1 =	vld [tilespmem:s18+$0x60];
	_ =	sdelay $0x4  }
0x48: {  	v0 =	vadd.f32 v1, v0;
	_ =	sdelay $0x1  }
0x49: {  	[tilespmem:s17+$0x60] =	vst v0;
	v0 =	vld [tilespmem:s17+$0x70]  }
0x4a: {  	v1 =	vld [tilespmem:s18+$0x70];
	_ =	sdelay $0x4  }
0x4b: {  	v0 =	vadd.f32 v1, v0  }
0x4c: {  	s19 =	simm.s32 $0x0;
	s20 =	simm.s32 $0x200  }
.LBB2_3:
0x4d: {  	v1 =	vld [tilespmem:s20+$0xFFFFFF80];
	[tilespmem:s17+$0x70] =	vst v0;
	s18 =	sadd.s32 $0x100, s18;
	s17 =	smov.u32 s20  }
0x4e: {  	s19 =	sadd.s32 $0x2, s19;
	v0 =	vld [tilespmem:s18+$0xFFFFFF80]  }
0x4f: {  	p0 =	slt.u32 s19, $0x6E;
	_ =	sdelay $0x3  }
0x50: {  	v0 =	vadd.f32 v0, v1;
	_ =	sdelay $0x1  }
0x51: {  	[tilespmem:s20+$0xFFFFFF80] =	vst v0;
	v0 =	vld [tilespmem:s20+$0xFFFFFF90]  }
0x52: {  	v1 =	vld [tilespmem:s18+$0xFFFFFF90];
	_ =	sdelay $0x4  }
0x53: {  	v0 =	vadd.f32 v1, v0;
	_ =	sdelay $0x1  }
0x54: {  	[tilespmem:s20+$0xFFFFFF90] =	vst v0;
	v0 =	vld [tilespmem:s20+$0xFFFFFFA0]  }
0x55: {  	v1 =	vld [tilespmem:s18+$0xFFFFFFA0];
	_ =	sdelay $0x4  }
0x56: {  	v0 =	vadd.f32 v1, v0;
	_ =	sdelay $0x1  }
0x57: {  	[tilespmem:s20+$0xFFFFFFA0] =	vst v0;
	v0 =	vld [tilespmem:s20+$0xFFFFFFB0]  }
0x58: {  	v1 =	vld [tilespmem:s18+$0xFFFFFFB0];
	_ =	sdelay $0x4  }
0x59: {  	v0 =	vadd.f32 v1, v0;
	_ =	sdelay $0x1  }
0x5a: {  	[tilespmem:s20+$0xFFFFFFB0] =	vst v0;
	v0 =	vld [tilespmem:s20+$0xFFFFFFC0]  }
0x5b: {  	v1 =	vld [tilespmem:s18+$0xFFFFFFC0];
	_ =	sdelay $0x4  }
0x5c: {  	v0 =	vadd.f32 v1, v0;
	_ =	sdelay $0x1  }
0x5d: {  	[tilespmem:s20+$0xFFFFFFC0] =	vst v0;
	v0 =	vld [tilespmem:s20+$0xFFFFFFD0]  }
0x5e: {  	v1 =	vld [tilespmem:s18+$0xFFFFFFD0];
	_ =	sdelay $0x4  }
0x5f: {  	v0 =	vadd.f32 v1, v0;
	_ =	sdelay $0x1  }
0x60: {  	[tilespmem:s20+$0xFFFFFFD0] =	vst v0;
	v0 =	vld [tilespmem:s20+$0xFFFFFFE0]  }
0x61: {  	v1 =	vld [tilespmem:s18+$0xFFFFFFE0];
	_ =	sdelay $0x4  }
0x62: {  	v0 =	vadd.f32 v1, v0;
	_ =	sdelay $0x1  }
0x63: {  	[tilespmem:s20+$0xFFFFFFE0] =	vst v0;
	v0 =	vld [tilespmem:s20+$0xFFFFFFF0]  }
0x64: {  	v1 =	vld [tilespmem:s18+$0xFFFFFFF0];
	_ =	sdelay $0x4  }
0x65: {  	v0 =	vadd.f32 v1, v0;
	_ =	sdelay $0x1  }
0x66: {  	[tilespmem:s20+$0xFFFFFFF0] =	vst v0;
	v0 =	vld [tilespmem:s20+$0x0]  }
0x67: {  	v1 =	vld [tilespmem:s18+$0x0];
	_ =	sdelay $0x4  }
0x68: {  	v0 =	vadd.f32 v1, v0;
	_ =	sdelay $0x1  }
0x69: {  	[tilespmem:s20+$0x0] =	vst v0;
	v0 =	vld [tilespmem:s20+$0x10]  }
0x6a: {  	v1 =	vld [tilespmem:s18+$0x10];
	_ =	sdelay $0x4  }
0x6b: {  	v0 =	vadd.f32 v1, v0;
	_ =	sdelay $0x1  }
0x6c: {  	[tilespmem:s20+$0x10] =	vst v0;
	v0 =	vld [tilespmem:s20+$0x20]  }
0x6d: {  	v1 =	vld [tilespmem:s18+$0x20];
	_ =	sdelay $0x4  }
0x6e: {  	v0 =	vadd.f32 v1, v0;
	_ =	sdelay $0x1  }
0x6f: {  	[tilespmem:s20+$0x20] =	vst v0;
	v0 =	vld [tilespmem:s20+$0x30]  }
0x70: {  	v1 =	vld [tilespmem:s18+$0x30];
	_ =	sdelay $0x4  }
0x71: {  	v0 =	vadd.f32 v1, v0;
	_ =	sdelay $0x1  }
0x72: {  	[tilespmem:s20+$0x30] =	vst v0;
	v0 =	vld [tilespmem:s20+$0x40]  }
0x73: {  	v1 =	vld [tilespmem:s18+$0x40];
	_ =	sdelay $0x4  }
0x74: {  	v0 =	vadd.f32 v1, v0;
	_ =	sdelay $0x1  }
0x75: {  	[tilespmem:s20+$0x40] =	vst v0;
	v0 =	vld [tilespmem:s20+$0x50]  }
0x76: {  	v1 =	vld [tilespmem:s18+$0x50];
	_ =	sdelay $0x4  }
0x77: {  	v0 =	vadd.f32 v1, v0;
	_ =	sdelay $0x1  }
0x78: {  	[tilespmem:s20+$0x50] =	vst v0;
	v0 =	vld [tilespmem:s20+$0x60]  }
0x79: {  	v1 =	vld [tilespmem:s18+$0x60];
	_ =	sdelay $0x4  }
0x7a: {  	v0 =	vadd.f32 v1, v0;
	_ =	sdelay $0x1  }
0x7b: {  	[tilespmem:s20+$0x60] =	vst v0;
	v0 =	vld [tilespmem:s20+$0x70]  }
0x7c: {  	v1 =	vld [tilespmem:s18+$0x70];
	_ =	sdelay $0x1  }
.Ltmp0:
0x7d: {  	(pc) =	sbr.rel @p0 .LBB2_3-.Ltmp0, $3  }
0x7e: {  	_ =	sdelay $0x1  }
0x7f: {  	v0 =	vadd.f32 v1, v0  }
0x80: {  	s20 =	sadd.s32 $0x100, s20  }
0x81: {  	s15 =	sadd.s32 $0x1, s15  }
0x82: {  	p0 =	sne.s32 s15, $0x1C  }
.Ltmp1:
0x83: {  	[tilespmem:s17+$0x70] =	vst v0;
	s16 =	sadd.s32 s5, s16;
	(pc) =	sbr.rel @p0 .LBB2_2-.Ltmp1, $4  }
0x84: {  	[hbm4b:s16+s6] =	stream.linear.scatter [tilespmem:s10], [sflag:$0x2], $0x3800, $0x38;
	[tilespmem:$0x7080] =	vst v63  }
0x85: {  	_ =	swait.ge [sflag:s9], $0x3800  }
0x86: {  	[sflag:s9] =	ssyncset.done $0x0  }
0x87: {  	[sflag:s9] =	ssyncadd.s32 $0xFFFFC800  }
0x88: {  	s14 =	sadd.s32 $0x1, s14  }
0x89: {  	p0 =	sne.s32 s14, s8  }
.Ltmp2:
0x8a: {  	_ = 	snop;
	(pc) =	sbr.rel @p0 .LBB2_1-.Ltmp2, $1  }
0x8b: {  	_ =	sdelay $0x3  }
0x8c: {  	_ =	sfence.sel $0x180000  }
0x8d: {  	[bflag:$0x0] =	sbarrier.arrive $0xFFFF  }
0x8e: {  	p0 =	sne.s32 s0, $0x0;
	_ =	strace $0x90000047  }
0x8f: {  	s0 =	sadd.s32 @!p0 $0x100000, s3;
	[bflag:$0x2] =	sbarrier.arrive $0xFFFF  }
0x90: {  	[sflag:s0] =	ssyncadd.tile.s32 @!p0 $0x1;
	_ =	shalt  }
.Lfunc_end2:
_tile_overlayer_lowered:
.L_overlay_start_2:
0x91: {  	(tag) =	ssettag $0x2  }
0x92: {  	s0 =	rddreg [dreg:$0x0];
	s2 =	stileid.u32  }
0x93: {  	s1 =	rddreg [dreg:$0x1];
	p0 =	sne.s32 s2, $0x0  }
0x94: {  	s3 =	rddreg [dreg:$0x2];
	[bflag:$0x3] =	sbarrier.arrive $0xFFFF;
	s2 =	simm.s32 @!p0 $0x1C02  }
0x95: {  	[timem:s3], [sflag:s2] =	dma.local @!p0 [hbm:s0], s1  }
0x96: {  	s0 =	simm.s32 @!p0 $0x2  }
0x97: {  	_ =	swait.ge @!p0 [sflag:s0], s1  }
0x98: {  	s1 =	ssub.s32 @!p0 $0x0, s1;
	[sflag:s0] =	ssyncset.done @!p0 $0x0  }
0x99: {  	[sflag:s0] =	ssyncadd.s32 @!p0 s1  }
0x9a: {  	[bflag:$0x3] =	sbarrier.arrive $0xFFFF  }
0x9b: {  	_ =	shalt  }

</sc_bundles>
